<compile_context>
chip_gen: v7x
topology: tpu7x:2x2x1
jax: 0.10.2.dev20260603
libtpu: 0.0.44.dev20260713+nightly
codegen_flags: <defaults>
</compile_context>

<pallas_src>
import functools

import jax
import jax.numpy as jnp
from jax import lax
from jax.experimental import pallas as pl
from jax.experimental.pallas import tpu as pltpu
from jax.experimental.pallas import tpu_sc as plsc

BATCH = 16384
NUM_Q = 1000
_NC = 2
_NS = 16
_NW = _NC * _NS
_BPW = BATCH // _NW
_L = 16
_H = _BPW // 2


def _sc_gather(student_ids, question_ids, ability, difficulty):
    mesh = plsc.VectorSubcoreMesh(core_axis_name="c", subcore_axis_name="s",
                                  num_cores=_NC)

    @functools.partial(
        pl.kernel,
        out_type=(
            jax.ShapeDtypeStruct((BATCH,), jnp.float32),
            jax.ShapeDtypeStruct((BATCH,), jnp.float32),
        ),
        mesh=mesh,
        compiler_params=pltpu.CompilerParams(
            needs_layout_passes=False,
            skip_device_barrier=True,
            disable_bounds_checks=True,
            disable_semaphore_checks=True,
        ),
        scratch_types=[
            pltpu.VMEM((_BPW,), jnp.int32),
            pltpu.VMEM((_BPW,), jnp.int32),
            pltpu.VMEM((_BPW,), jnp.float32),
            pltpu.VMEM((_BPW,), jnp.float32),
            pltpu.VMEM((NUM_Q,), jnp.float32),
            pltpu.SemaphoreType.DMA,
            pltpu.SemaphoreType.DMA,
            pltpu.SemaphoreType.DMA,
        ],
    )
    def gather_kernel(sid_hbm, qid_hbm, abil_hbm, diff_hbm, a_out, d_out,
                      sidx_v, qidx_v, a_v, d_v, dtab_v, sem_a, sem_d, sem_t):
        wid = lax.axis_index("s") * _NC + lax.axis_index("c")
        base = wid * _BPW
        li1 = pltpu.async_copy(sid_hbm.at[pl.ds(base, _H)],
                               sidx_v.at[pl.ds(0, _H)], sem_a)
        li2 = pltpu.async_copy(sid_hbm.at[pl.ds(base + _H, _H)],
                               sidx_v.at[pl.ds(_H, _H)], sem_t)
        lq = pltpu.async_copy(qid_hbm.at[pl.ds(base, _BPW)], qidx_v, sem_d)
        lt = pltpu.async_copy(diff_hbm, dtab_v, sem_d)
        li1.wait()
        ca = pltpu.async_copy(abil_hbm.at[sidx_v.at[pl.ds(0, _H)]],
                              a_v.at[pl.ds(0, _H)], sem_a)
        li2.wait()
        cb = pltpu.async_copy(abil_hbm.at[sidx_v.at[pl.ds(_H, _H)]],
                              a_v.at[pl.ds(_H, _H)], sem_t)
        lq.wait()
        lt.wait()

        def body(i, carry):
            idx = qidx_v[pl.ds(i * _L, _L)]
            d_v[pl.ds(i * _L, _L)] = plsc.load_gather(dtab_v, [idx])
            return carry

        lax.fori_loop(0, _BPW // _L, body, 0, unroll=1)

        sd = pltpu.async_copy(d_v, d_out.at[pl.ds(base, _BPW)], sem_d)
        ca.wait()
        sa = pltpu.async_copy(a_v.at[pl.ds(0, _H)],
                              a_out.at[pl.ds(base, _H)], sem_a)
        cb.wait()
        sb = pltpu.async_copy(a_v.at[pl.ds(_H, _H)],
                              a_out.at[pl.ds(base + _H, _H)], sem_t)
        sd.wait()
        sa.wait()
        sb.wait()

    return gather_kernel(student_ids, question_ids, ability, difficulty)


def _tc_body(a_ref, d_ref, lab_ref, pred_ref, loss_ref):
    a = a_ref[...]
    d = d_ref[...]
    lab = lab_ref[...]
    sp_a = jnp.maximum(a, 0.0) + jnp.log1p(jnp.exp(-jnp.abs(a)))
    sp_d = jnp.maximum(d, 0.0) + jnp.log1p(jnp.exp(-jnp.abs(d)))
    pred = sp_a - sp_d
    pred_ref[...] = pred
    t = jnp.maximum(pred, 0.0) - pred * lab + jnp.log1p(jnp.exp(-jnp.abs(pred)))
    loss_ref[...] = (jnp.sum(t) * (1.0 / BATCH)).reshape(1, 1)


def _tc_math(a_raw, d_raw, labels):
    a2 = a_raw.reshape(128, 128)
    d2 = d_raw.reshape(128, 128)
    l2 = labels.reshape(128, 128)
    pred, loss = pl.pallas_call(
        _tc_body,
        out_shape=(
            jax.ShapeDtypeStruct((128, 128), jnp.float32),
            jax.ShapeDtypeStruct((1, 1), jnp.float32),
        ),
    )(a2, d2, l2)
    return loss[0, 0], pred.reshape(BATCH)


def kernel(student_ids, question_ids_collapsed, labels, ability, difficulty):
    a_raw, d_raw = _sc_gather(student_ids, question_ids_collapsed,
                              ability, difficulty)
    return _tc_math(a_raw, d_raw, labels)

# --- scband reference (transcript-rebuilt; emitter-appended) ---
"""Pipeline reference for scband-irt-19421842113065 (READ-ONLY COPY).

The authoritative reference and input builder live on the scoring server;
editing this copy changes nothing except your own understanding.
"""

import jax, jax.numpy as jnp
import numpy as np

NUM_STUDENTS = 100000
NUM_QUESTIONS = 1000
BATCH = 16384


def setup_inputs(seed: int = 0) -> dict:
    key = jax.random.key(seed)
    k0, k1, k2, k3, k4 = jax.random.split(key, 5)
    student_ids = jax.random.randint(k0, (BATCH,), 0, NUM_STUDENTS, dtype=jnp.int64 if jax.config.jax_enable_x64 else jnp.int32)
    question_ids_collapsed = jax.random.randint(k1, (BATCH,), 0, NUM_QUESTIONS, dtype=jnp.int64 if jax.config.jax_enable_x64 else jnp.int32)
    labels = jax.random.uniform(k2, (BATCH,), dtype=jnp.float32)
    # learned parameters, init like torch.normal(0.0, 0.1, ...)
    ability = 0.1 * jax.random.normal(k3, (NUM_STUDENTS,), dtype=jnp.float32)
    difficulty = 0.1 * jax.random.normal(k4, (NUM_QUESTIONS,), dtype=jnp.float32)
    return {
        "student_ids": student_ids,
        "question_ids_collapsed": question_ids_collapsed,
        "labels": labels,
        "ability": ability,
        "difficulty": difficulty,
    }


def _bce_with_logits_mean(logits, targets):
    # numerically stable, matches torch.nn.BCEWithLogitsLoss(reduction='mean')
    return jnp.mean(jnp.clip(logits, 0.0, None) - logits * targets + jnp.log1p(jnp.exp(-jnp.abs(logits))))


def reference(student_ids, question_ids_collapsed, labels, ability, difficulty):
    # behavior_model is None and mode is None, so only the IRT path runs
    a = jax.nn.softplus(jnp.take(ability, student_ids, axis=0))
    d = jax.nn.softplus(jnp.take(difficulty, question_ids_collapsed, axis=0))
    predictions = a - d
    avg_loss = _bce_with_logits_mean(predictions, labels)
    return (avg_loss, predictions)

if __name__ == "__main__":
    import jax
    _d = setup_inputs()
    print(jax.jit(kernel)(*tuple(_d.values())))

</pallas_src>

<mosaic_0001>
#map = affine_map<(d0, d1) -> (0)>
module attributes {stable_mosaic.version = 14 : i64} {
  func.func @gather_kernel(%arg0: i32, %arg1: i32, %arg2: memref<16384xi32, #tpu.memory_space<hbm>>, %arg3: memref<16384xi32, #tpu.memory_space<hbm>>, %arg4: memref<100000xf32, #tpu.memory_space<hbm>>, %arg5: memref<1000xf32, #tpu.memory_space<hbm>>, %arg6: memref<16384xf32, #tpu.memory_space<hbm>>, %arg7: memref<16384xf32, #tpu.memory_space<hbm>>, %arg8: memref<512xi32, #tpu.memory_space<vmem>>, %arg9: memref<512xi32, #tpu.memory_space<vmem>>, %arg10: memref<512xf32, #tpu.memory_space<vmem>>, %arg11: memref<512xf32, #tpu.memory_space<vmem>>, %arg12: memref<1000xf32, #tpu.memory_space<vmem>>, %arg13: memref<!tpu.dma_semaphore, #tpu.memory_space<semaphore_mem>>, %arg14: memref<!tpu.dma_semaphore, #tpu.memory_space<semaphore_mem>>, %arg15: memref<!tpu.dma_semaphore, #tpu.memory_space<semaphore_mem>>) attributes {dimension_semantics = [#tpu.dimension_semantics<core_parallel>, #tpu.dimension_semantics<subcore_parallel>], iteration_bounds = array<i64: 2, 16>, scalar_prefetch = 0 : i64, scratch_operands = 8 : i64, tpu.core_type = #tpu.core_type<sc_vector_subcore>, window_params = [{transform_indices = #map}, {transform_indices = #map}, {transform_indices = #map}, {transform_indices = #map}, {transform_indices = #map}, {transform_indices = #map}]} {
    %mul3A = arith.constant 2 : i32
    %mul3A_0 = arith.muli %arg1, %mul3A : i32
    %add3A = arith.addi %mul3A_0, %arg0 : i32
    %mul3A_1 = arith.constant 512 : i32
    %mul3A_2 = arith.muli %add3A, %mul3A_1 : i32
    %dma_start3A = arith.constant 0 : i32
    %dma_start3A_3 = tpu.memref_slice %arg8[%dma_start3A] : memref<512xi32, #tpu.memory_space<vmem>> -> memref<256xi32, #tpu.memory_space<vmem>>
    %dma_start3A_4 = tpu.memref_slice %arg2[%mul3A_2] : memref<16384xi32, #tpu.memory_space<hbm>> -> memref<256xi32, #tpu.memory_space<hbm>>
    %dma_start3A_5 = arith.constant 0 : i32
    %dma_start3A_6 = tpu.memref_slice %arg8[%dma_start3A_5] : memref<512xi32, #tpu.memory_space<vmem>> -> memref<256xi32, #tpu.memory_space<vmem>>
    %dma_start3A_7 = tpu.memref_slice %arg2[%mul3A_2] : memref<16384xi32, #tpu.memory_space<hbm>> -> memref<256xi32, #tpu.memory_space<hbm>>
    tpu.enqueue_dma source(%dma_start3A_7 : memref<256xi32, #tpu.memory_space<hbm>>) target(%dma_start3A_6 : memref<256xi32, #tpu.memory_space<vmem>>) target_semaphore(%arg13 : memref<!tpu.dma_semaphore, #tpu.memory_space<semaphore_mem>>)
    %add3A_8 = arith.constant 256 : i32
    %add3A_9 = arith.addi %mul3A_2, %add3A_8 : i32
    %dma_start3A_10 = arith.constant 256 : i32
    %dma_start3A_11 = tpu.memref_slice %arg8[%dma_start3A_10] : memref<512xi32, #tpu.memory_space<vmem>> -> memref<256xi32, #tpu.memory_space<vmem>>
    %dma_start3A_12 = tpu.memref_slice %arg2[%add3A_9] : memref<16384xi32, #tpu.memory_space<hbm>> -> memref<256xi32, #tpu.memory_space<hbm>>
    %dma_start3A_13 = arith.constant 256 : i32
    %dma_start3A_14 = tpu.memref_slice %arg8[%dma_start3A_13] : memref<512xi32, #tpu.memory_space<vmem>> -> memref<256xi32, #tpu.memory_space<vmem>>
    %dma_start3A_15 = tpu.memref_slice %arg2[%add3A_9] : memref<16384xi32, #tpu.memory_space<hbm>> -> memref<256xi32, #tpu.memory_space<hbm>>
    tpu.enqueue_dma source(%dma_start3A_15 : memref<256xi32, #tpu.memory_space<hbm>>) target(%dma_start3A_14 : memref<256xi32, #tpu.memory_space<vmem>>) target_semaphore(%arg15 : memref<!tpu.dma_semaphore, #tpu.memory_space<semaphore_mem>>)
    %dma_start3A_16 = tpu.memref_slice %arg3[%mul3A_2] : memref<16384xi32, #tpu.memory_space<hbm>> -> memref<512xi32, #tpu.memory_space<hbm>>
    %dma_start3A_17 = tpu.memref_slice %arg3[%mul3A_2] : memref<16384xi32, #tpu.memory_space<hbm>> -> memref<512xi32, #tpu.memory_space<hbm>>
    tpu.enqueue_dma source(%dma_start3A_17 : memref<512xi32, #tpu.memory_space<hbm>>) target(%arg9 : memref<512xi32, #tpu.memory_space<vmem>>) target_semaphore(%arg14 : memref<!tpu.dma_semaphore, #tpu.memory_space<semaphore_mem>>)
    tpu.enqueue_dma source(%arg5 : memref<1000xf32, #tpu.memory_space<hbm>>) target(%arg12 : memref<1000xf32, #tpu.memory_space<vmem>>) target_semaphore(%arg14 : memref<!tpu.dma_semaphore, #tpu.memory_space<semaphore_mem>>)
    %dma_wait3A = arith.constant 0 : i32
    %dma_wait3A_18 = tpu.memref_slice %arg8[%dma_wait3A] : memref<512xi32, #tpu.memory_space<vmem>> -> memref<256xi32, #tpu.memory_space<vmem>>
    %dma_wait3A_19 = tpu.memref_slice %arg2[%mul3A_2] : memref<16384xi32, #tpu.memory_space<hbm>> -> memref<256xi32, #tpu.memory_space<hbm>>
    %dma_wait3A_20 = arith.constant 0 : i32
    %dma_wait3A_21 = tpu.memref_slice %arg8[%dma_wait3A_20] : memref<512xi32, #tpu.memory_space<vmem>> -> memref<256xi32, #tpu.memory_space<vmem>>
    %dma_wait3A_22 = tpu.memref_slice %arg2[%mul3A_2] : memref<16384xi32, #tpu.memory_space<hbm>> -> memref<256xi32, #tpu.memory_space<hbm>>
    tpu.wait_dma2 semaphore(%arg13 : memref<!tpu.dma_semaphore, #tpu.memory_space<semaphore_mem>>) src(%dma_wait3A_22 : memref<256xi32, #tpu.memory_space<hbm>>) dst(%dma_wait3A_21 : memref<256xi32, #tpu.memory_space<vmem>>)
    %dma_start3A_23 = arith.constant 0 : i32
    %dma_start3A_24 = tpu.memref_slice %arg10[%dma_start3A_23] : memref<512xf32, #tpu.memory_space<vmem>> -> memref<256xf32, #tpu.memory_space<vmem>>
    %dma_start3A_25 = arith.constant 0 : i32
    %dma_start3A_26 = tpu.memref_slice %arg8[%dma_start3A_25] : memref<512xi32, #tpu.memory_space<vmem>> -> memref<256xi32, #tpu.memory_space<vmem>>
    %dma_start3A_27 = arith.constant 0 : i32
    %dma_start3A_28 = tpu.memref_slice %arg4[%dma_start3A_27] : memref<100000xf32, #tpu.memory_space<hbm>> -> memref<100000xf32, #tpu.memory_space<hbm>>
    tpu.enqueue_indirect_dma source(%dma_start3A_28 : memref<100000xf32, #tpu.memory_space<hbm>>) target(%dma_start3A_24 : memref<256xf32, #tpu.memory_space<vmem>>) offsets(%dma_start3A_26 : memref<256xi32, #tpu.memory_space<vmem>>) semaphore(%arg13 : memref<!tpu.dma_semaphore, #tpu.memory_space<semaphore_mem>>)
    %dma_wait3A_29 = arith.constant 256 : i32
    %dma_wait3A_30 = tpu.memref_slice %arg8[%dma_wait3A_29] : memref<512xi32, #tpu.memory_space<vmem>> -> memref<256xi32, #tpu.memory_space<vmem>>
    %dma_wait3A_31 = tpu.memref_slice %arg2[%add3A_9] : memref<16384xi32, #tpu.memory_space<hbm>> -> memref<256xi32, #tpu.memory_space<hbm>>
    %dma_wait3A_32 = arith.constant 256 : i32
    %dma_wait3A_33 = tpu.memref_slice %arg8[%dma_wait3A_32] : memref<512xi32, #tpu.memory_space<vmem>> -> memref<256xi32, #tpu.memory_space<vmem>>
    %dma_wait3A_34 = tpu.memref_slice %arg2[%add3A_9] : memref<16384xi32, #tpu.memory_space<hbm>> -> memref<256xi32, #tpu.memory_space<hbm>>
    tpu.wait_dma2 semaphore(%arg15 : memref<!tpu.dma_semaphore, #tpu.memory_space<semaphore_mem>>) src(%dma_wait3A_34 : memref<256xi32, #tpu.memory_space<hbm>>) dst(%dma_wait3A_33 : memref<256xi32, #tpu.memory_space<vmem>>)
    %dma_start3A_35 = arith.constant 256 : i32
    %dma_start3A_36 = tpu.memref_slice %arg10[%dma_start3A_35] : memref<512xf32, #tpu.memory_space<vmem>> -> memref<256xf32, #tpu.memory_space<vmem>>
    %dma_start3A_37 = arith.constant 256 : i32
    %dma_start3A_38 = tpu.memref_slice %arg8[%dma_start3A_37] : memref<512xi32, #tpu.memory_space<vmem>> -> memref<256xi32, #tpu.memory_space<vmem>>
    %dma_start3A_39 = arith.constant 0 : i32
    %dma_start3A_40 = tpu.memref_slice %arg4[%dma_start3A_39] : memref<100000xf32, #tpu.memory_space<hbm>> -> memref<100000xf32, #tpu.memory_space<hbm>>
    tpu.enqueue_indirect_dma source(%dma_start3A_40 : memref<100000xf32, #tpu.memory_space<hbm>>) target(%dma_start3A_36 : memref<256xf32, #tpu.memory_space<vmem>>) offsets(%dma_start3A_38 : memref<256xi32, #tpu.memory_space<vmem>>) semaphore(%arg15 : memref<!tpu.dma_semaphore, #tpu.memory_space<semaphore_mem>>)
    %dma_wait3A_41 = tpu.memref_slice %arg3[%mul3A_2] : memref<16384xi32, #tpu.memory_space<hbm>> -> memref<512xi32, #tpu.memory_space<hbm>>
    %dma_wait3A_42 = tpu.memref_slice %arg3[%mul3A_2] : memref<16384xi32, #tpu.memory_space<hbm>> -> memref<512xi32, #tpu.memory_space<hbm>>
    tpu.wait_dma2 semaphore(%arg14 : memref<!tpu.dma_semaphore, #tpu.memory_space<semaphore_mem>>) src(%dma_wait3A_42 : memref<512xi32, #tpu.memory_space<hbm>>) dst(%arg9 : memref<512xi32, #tpu.memory_space<vmem>>)
    tpu.wait_dma2 semaphore(%arg14 : memref<!tpu.dma_semaphore, #tpu.memory_space<semaphore_mem>>) src(%arg5 : memref<1000xf32, #tpu.memory_space<hbm>>) dst(%arg12 : memref<1000xf32, #tpu.memory_space<vmem>>)
    %scan3A = arith.constant 0 : i32
    %scan3A_43 = arith.constant 0 : i32
    %scan3A_44 = arith.constant 32 : i32
    %scan3A_45 = arith.addi %scan3A_43, %scan3A_44 : i32
    %scan3A_46 = arith.constant 1 : i32
    scf.for %scan3A_90 = %scan3A_43 to %scan3A_45 step %scan3A_46  : i32 {
      %mul3A_91 = arith.constant 16 : i32
      %mul3A_92 = arith.muli %scan3A_90, %mul3A_91 : i32
      %get3A = arith.index_cast %mul3A_92 : i32 to index
      %get3A_93 = tpu.vector_load %arg9[%get3A] {strides = array<i32>} : memref<512xi32, #tpu.memory_space<vmem>>, vector<16xi32>,
      %gather3A = tpu.vector_load_idx %arg12[%get3A_93] : memref<1000xf32, #tpu.memory_space<vmem>>[vector<16xi32>], vector<16xf32>,
      %mul3A_94 = arith.constant 16 : i32
      %mul3A_95 = arith.muli %scan3A_90, %mul3A_94 : i32
      %swap3A = arith.index_cast %mul3A_95 : i32 to index
      %swap3A_96 = tpu.vector_load %arg11[%swap3A] {strides = array<i32>} : memref<512xf32, #tpu.memory_space<vmem>>, vector<16xf32>,
      tpu.vector_store %arg11[%swap3A], %gather3A {strides = array<i32>} : memref<512xf32, #tpu.memory_space<vmem>>, vector<16xf32>,
    }
    %scan3A_47 = arith.constant 32 : i32
    %dma_start3A_48 = tpu.memref_slice %arg7[%mul3A_2] : memref<16384xf32, #tpu.memory_space<hbm>> -> memref<512xf32, #tpu.memory_space<hbm>>
    %dma_start3A_49 = tpu.memref_slice %arg7[%mul3A_2] : memref<16384xf32, #tpu.memory_space<hbm>> -> memref<512xf32, #tpu.memory_space<hbm>>
    tpu.enqueue_dma source(%arg11 : memref<512xf32, #tpu.memory_space<vmem>>) target(%dma_start3A_49 : memref<512xf32, #tpu.memory_space<hbm>>) target_semaphore(%arg14 : memref<!tpu.dma_semaphore, #tpu.memory_space<semaphore_mem>>)
    %dma_wait3A_50 = arith.constant 0 : i32
    %dma_wait3A_51 = tpu.memref_slice %arg10[%dma_wait3A_50] : memref<512xf32, #tpu.memory_space<vmem>> -> memref<256xf32, #tpu.memory_space<vmem>>
    %dma_wait3A_52 = arith.constant 0 : i32
    %dma_wait3A_53 = tpu.memref_slice %arg8[%dma_wait3A_52] : memref<512xi32, #tpu.memory_space<vmem>> -> memref<256xi32, #tpu.memory_space<vmem>>
    %dma_wait3A_54 = arith.constant 0 : i32
    %dma_wait3A_55 = tpu.memref_slice %arg4[%dma_wait3A_54] : memref<100000xf32, #tpu.memory_space<hbm>> -> memref<100000xf32, #tpu.memory_space<hbm>>
    tpu.wait_indirect_dma semaphore(%arg13 : memref<!tpu.dma_semaphore, #tpu.memory_space<semaphore_mem>>) src(%dma_wait3A_55 : memref<100000xf32, #tpu.memory_space<hbm>>) dst(%dma_wait3A_51 : memref<256xf32, #tpu.memory_space<vmem>>)
    %dma_start3A_56 = arith.constant 0 : i32
    %dma_start3A_57 = tpu.memref_slice %arg10[%dma_start3A_56] : memref<512xf32, #tpu.memory_space<vmem>> -> memref<256xf32, #tpu.memory_space<vmem>>
    %dma_start3A_58 = tpu.memref_slice %arg6[%mul3A_2] : memref<16384xf32, #tpu.memory_space<hbm>> -> memref<256xf32, #tpu.memory_space<hbm>>
    %dma_start3A_59 = tpu.memref_slice %arg6[%mul3A_2] : memref<16384xf32, #tpu.memory_space<hbm>> -> memref<256xf32, #tpu.memory_space<hbm>>
    %dma_start3A_60 = arith.constant 0 : i32
    %dma_start3A_61 = tpu.memref_slice %arg10[%dma_start3A_60] : memref<512xf32, #tpu.memory_space<vmem>> -> memref<256xf32, #tpu.memory_space<vmem>>
    tpu.enqueue_dma source(%dma_start3A_61 : memref<256xf32, #tpu.memory_space<vmem>>) target(%dma_start3A_59 : memref<256xf32, #tpu.memory_space<hbm>>) target_semaphore(%arg13 : memref<!tpu.dma_semaphore, #tpu.memory_space<semaphore_mem>>)
    %dma_wait3A_62 = arith.constant 256 : i32
    %dma_wait3A_63 = tpu.memref_slice %arg10[%dma_wait3A_62] : memref<512xf32, #tpu.memory_space<vmem>> -> memref<256xf32, #tpu.memory_space<vmem>>
    %dma_wait3A_64 = arith.constant 256 : i32
    %dma_wait3A_65 = tpu.memref_slice %arg8[%dma_wait3A_64] : memref<512xi32, #tpu.memory_space<vmem>> -> memref<256xi32, #tpu.memory_space<vmem>>
    %dma_wait3A_66 = arith.constant 0 : i32
    %dma_wait3A_67 = tpu.memref_slice %arg4[%dma_wait3A_66] : memref<100000xf32, #tpu.memory_space<hbm>> -> memref<100000xf32, #tpu.memory_space<hbm>>
    tpu.wait_indirect_dma semaphore(%arg15 : memref<!tpu.dma_semaphore, #tpu.memory_space<semaphore_mem>>) src(%dma_wait3A_67 : memref<100000xf32, #tpu.memory_space<hbm>>) dst(%dma_wait3A_63 : memref<256xf32, #tpu.memory_space<vmem>>)
    %add3A_68 = arith.constant 256 : i32
    %add3A_69 = arith.addi %mul3A_2, %add3A_68 : i32
    %dma_start3A_70 = arith.constant 256 : i32
    %dma_start3A_71 = tpu.memref_slice %arg10[%dma_start3A_70] : memref<512xf32, #tpu.memory_space<vmem>> -> memref<256xf32, #tpu.memory_space<vmem>>
    %dma_start3A_72 = tpu.memref_slice %arg6[%add3A_69] : memref<16384xf32, #tpu.memory_space<hbm>> -> memref<256xf32, #tpu.memory_space<hbm>>
    %dma_start3A_73 = tpu.memref_slice %arg6[%add3A_69] : memref<16384xf32, #tpu.memory_space<hbm>> -> memref<256xf32, #tpu.memory_space<hbm>>
    %dma_start3A_74 = arith.constant 256 : i32
    %dma_start3A_75 = tpu.memref_slice %arg10[%dma_start3A_74] : memref<512xf32, #tpu.memory_space<vmem>> -> memref<256xf32, #tpu.memory_space<vmem>>
    tpu.enqueue_dma source(%dma_start3A_75 : memref<256xf32, #tpu.memory_space<vmem>>) target(%dma_start3A_73 : memref<256xf32, #tpu.memory_space<hbm>>) target_semaphore(%arg15 : memref<!tpu.dma_semaphore, #tpu.memory_space<semaphore_mem>>)
    %dma_wait3A_76 = tpu.memref_slice %arg7[%mul3A_2] : memref<16384xf32, #tpu.memory_space<hbm>> -> memref<512xf32, #tpu.memory_space<hbm>>
    %dma_wait3A_77 = tpu.memref_slice %arg7[%mul3A_2] : memref<16384xf32, #tpu.memory_space<hbm>> -> memref<512xf32, #tpu.memory_space<hbm>>
    tpu.wait_dma2 semaphore(%arg14 : memref<!tpu.dma_semaphore, #tpu.memory_space<semaphore_mem>>) src(%arg11 : memref<512xf32, #tpu.memory_space<vmem>>) dst(%dma_wait3A_77 : memref<512xf32, #tpu.memory_space<hbm>>)
    %dma_wait3A_78 = arith.constant 0 : i32
    %dma_wait3A_79 = tpu.memref_slice %arg10[%dma_wait3A_78] : memref<512xf32, #tpu.memory_space<vmem>> -> memref<256xf32, #tpu.memory_space<vmem>>
    %dma_wait3A_80 = tpu.memref_slice %arg6[%mul3A_2] : memref<16384xf32, #tpu.memory_space<hbm>> -> memref<256xf32, #tpu.memory_space<hbm>>
    %dma_wait3A_81 = tpu.memref_slice %arg6[%mul3A_2] : memref<16384xf32, #tpu.memory_space<hbm>> -> memref<256xf32, #tpu.memory_space<hbm>>
    %dma_wait3A_82 = arith.constant 0 : i32
    %dma_wait3A_83 = tpu.memref_slice %arg10[%dma_wait3A_82] : memref<512xf32, #tpu.memory_space<vmem>> -> memref<256xf32, #tpu.memory_space<vmem>>
    tpu.wait_dma2 semaphore(%arg13 : memref<!tpu.dma_semaphore, #tpu.memory_space<semaphore_mem>>) src(%dma_wait3A_83 : memref<256xf32, #tpu.memory_space<vmem>>) dst(%dma_wait3A_81 : memref<256xf32, #tpu.memory_space<hbm>>)
    %dma_wait3A_84 = arith.constant 256 : i32
    %dma_wait3A_85 = tpu.memref_slice %arg10[%dma_wait3A_84] : memref<512xf32, #tpu.memory_space<vmem>> -> memref<256xf32, #tpu.memory_space<vmem>>
    %dma_wait3A_86 = tpu.memref_slice %arg6[%add3A_69] : memref<16384xf32, #tpu.memory_space<hbm>> -> memref<256xf32, #tpu.memory_space<hbm>>
    %dma_wait3A_87 = tpu.memref_slice %arg6[%add3A_69] : memref<16384xf32, #tpu.memory_space<hbm>> -> memref<256xf32, #tpu.memory_space<hbm>>
    %dma_wait3A_88 = arith.constant 256 : i32
    %dma_wait3A_89 = tpu.memref_slice %arg10[%dma_wait3A_88] : memref<512xf32, #tpu.memory_space<vmem>> -> memref<256xf32, #tpu.memory_space<vmem>>
    tpu.wait_dma2 semaphore(%arg15 : memref<!tpu.dma_semaphore, #tpu.memory_space<semaphore_mem>>) src(%dma_wait3A_89 : memref<256xf32, #tpu.memory_space<vmem>>) dst(%dma_wait3A_87 : memref<256xf32, #tpu.memory_space<hbm>>)
    return
  }
}

module attributes {stable_mosaic.version = 14 : i64} {
  func.func @_tc_body(%arg0: memref<128x128xf32, #tpu.memory_space<vmem>>, %arg1: memref<128x128xf32, #tpu.memory_space<vmem>>, %arg2: memref<128x128xf32, #tpu.memory_space<vmem>>, %arg3: memref<128x128xf32, #tpu.memory_space<vmem>>, %arg4: memref<1x1xf32, #tpu.memory_space<vmem>>) attributes {dimension_semantics = [], scalar_prefetch = 0 : i64, scratch_operands = 0 : i64, tpu.core_type = #tpu.core_type<tc>} {
    %get3A = arith.constant 0 : index
    %get3A_0 = arith.constant 0 : index
    %get3A_1 = vector.load %arg0[%get3A, %get3A_0] : memref<128x128xf32, #tpu.memory_space<vmem>>, vector<128x128xf32>
    %get3A_2 = arith.constant 0 : index
    %get3A_3 = arith.constant 0 : index
    %get3A_4 = vector.load %arg1[%get3A_2, %get3A_3] : memref<128x128xf32, #tpu.memory_space<vmem>>, vector<128x128xf32>
    %get3A_5 = arith.constant 0 : index
    %get3A_6 = arith.constant 0 : index
    %get3A_7 = vector.load %arg2[%get3A_5, %get3A_6] : memref<128x128xf32, #tpu.memory_space<vmem>>, vector<128x128xf32>
    %max3A = arith.constant 0.000000e+00 : f32
    %max3A_8 = vector.broadcast %max3A : f32 to vector<128x128xf32>
    %max3A_9 = arith.maximumf %get3A_1, %max3A_8 : vector<128x128xf32>
    %abs3A = math.absf %get3A_1 : vector<128x128xf32>
    %neg3A = arith.constant 0.000000e+00 : f32
    %neg3A_10 = vector.broadcast %neg3A : f32 to vector<128x128xf32>
    %neg3A_11 = arith.subf %neg3A_10, %abs3A : vector<128x128xf32>
    %exp3A = math.exp %neg3A_11 : vector<128x128xf32>
    %log1p3A = math.log1p %exp3A : vector<128x128xf32>
    %add3A = arith.addf %max3A_9, %log1p3A : vector<128x128xf32>
    %max3A_12 = arith.constant 0.000000e+00 : f32
    %max3A_13 = vector.broadcast %max3A_12 : f32 to vector<128x128xf32>
    %max3A_14 = arith.maximumf %get3A_4, %max3A_13 : vector<128x128xf32>
    %abs3A_15 = math.absf %get3A_4 : vector<128x128xf32>
    %neg3A_16 = arith.constant 0.000000e+00 : f32
    %neg3A_17 = vector.broadcast %neg3A_16 : f32 to vector<128x128xf32>
    %neg3A_18 = arith.subf %neg3A_17, %abs3A_15 : vector<128x128xf32>
    %exp3A_19 = math.exp %neg3A_18 : vector<128x128xf32>
    %log1p3A_20 = math.log1p %exp3A_19 : vector<128x128xf32>
    %add3A_21 = arith.addf %max3A_14, %log1p3A_20 : vector<128x128xf32>
    %sub3A = arith.subf %add3A, %add3A_21 : vector<128x128xf32>
    %swap3A = arith.constant 0 : index
    %swap3A_22 = arith.constant 0 : index
    %swap3A_23 = vector.load %arg3[%swap3A, %swap3A_22] : memref<128x128xf32, #tpu.memory_space<vmem>>, vector<128x128xf32>
    tpu.vector_store %arg3[%swap3A, %swap3A_22], %sub3A {strides = array<i32>} : memref<128x128xf32, #tpu.memory_space<vmem>>, vector<128x128xf32>,
    %max3A_24 = arith.constant 0.000000e+00 : f32
    %max3A_25 = vector.broadcast %max3A_24 : f32 to vector<128x128xf32>
    %max3A_26 = arith.maximumf %sub3A, %max3A_25 : vector<128x128xf32>
    %mul3A = arith.mulf %sub3A, %get3A_7 : vector<128x128xf32>
    %sub3A_27 = arith.subf %max3A_26, %mul3A : vector<128x128xf32>
    %abs3A_28 = math.absf %sub3A : vector<128x128xf32>
    %neg3A_29 = arith.constant 0.000000e+00 : f32
    %neg3A_30 = vector.broadcast %neg3A_29 : f32 to vector<128x128xf32>
    %neg3A_31 = arith.subf %neg3A_30, %abs3A_28 : vector<128x128xf32>
    %exp3A_32 = math.exp %neg3A_31 : vector<128x128xf32>
    %log1p3A_33 = math.log1p %exp3A_32 : vector<128x128xf32>
    %add3A_34 = arith.addf %sub3A_27, %log1p3A_33 : vector<128x128xf32>
    %reduce_sum3A = vector.shape_cast %add3A_34 : vector<128x128xf32> to vector<1x128x128xf32>
    %reduce_sum3A_35 = arith.constant dense<0.000000e+00> : vector<1xf32>
    %reduce_sum3A_36 = vector.multi_reduction <add>, %reduce_sum3A, %reduce_sum3A_35 [1, 2] : vector<1x128x128xf32> to vector<1xf32>
    %reduce_sum3A_37 = vector.shape_cast %reduce_sum3A_36 : vector<1xf32> to vector<1x1x1xf32>
    %reduce_sum3A_38 = vector.extract %reduce_sum3A_37[0, 0, 0] : f32 from vector<1x1x1xf32>
    %mul3A_39 = arith.constant 6.10351563E-5 : f32
    %mul3A_40 = arith.mulf %reduce_sum3A_38, %mul3A_39 : f32
    %reshape3A = vector.broadcast %mul3A_40 : f32 to vector<1x1xf32>
    %swap3A_41 = arith.constant 0 : index
    %swap3A_42 = arith.constant 0 : index
    %swap3A_43 = vector.load %arg4[%swap3A_41, %swap3A_42] : memref<1x1xf32, #tpu.memory_space<vmem>>, vector<1x1xf32>
    tpu.vector_store %arg4[%swap3A_41, %swap3A_42], %reshape3A {strides = array<i32>} : memref<1x1xf32, #tpu.memory_space<vmem>>, vector<1x1xf32>,
    return
  }
}

</mosaic_0001>

<sc_bundles>
// kernel: kernel.4.cloned.1.call-start
scs
__scs_entry_jumppad:
0x0: {  	(pc) =	sbr.rel $0x88, $3  }
0x1: {  	(tag) =	ssettag $0x0;
	lr =	simm.s32 $0x1  }
0x2: {  	[smem:$0x3F9C] =	sst lr;
	_ =	strace $0xD0000000  }
0x3: {  	_ = 	snop  }
0x4: {  	_ = 	snop  }
0x5: {  	_ = 	snop  }
0x6: {  	_ = 	snop  }
0x7: {  	_ = 	snop  }
__scs_overlays_trampoline_lowered:
0x8: {  	[smem:$0x3FAB] =	sst s0  }
0x9: {  	[smem:$0x3FAC] =	sst s1  }
0xa: {  	[smem:$0x3FAD] =	sst s2  }
0xb: {  	[smem:$0x3FAE] =	sst s3  }
0xc: {  	[smem:$0x3FAF] =	sst s4  }
0xd: {  	[smem:$0x3FB0] =	sst s5  }
0xe: {  	[smem:$0x3FB1] =	sst s6  }
0xf: {  	[smem:$0x3FB2] =	sst s7  }
0x10: {  	[smem:$0x3FB3] =	sst s8  }
0x11: {  	[smem:$0x3FB4] =	sst s9;
	s0 =	simm.s32 @!p0 $0x0  }
0x12: {  	s1 =	sld [smem:$0x3F9A];
	s0 =	simm.s32 @p0 $0x1  }
0x13: {  	[smem:$0x3FB5] =	sst s0;
	s0 =	simm.s32 @!p1 $0x0  }
0x14: {  	s2 =	sld [smem:$0x3F99];
	s0 =	simm.s32 @p1 $0x1  }
0x15: {  	[smem:$0x3FB6] =	sst s0;
	s0 =	simm.s32 @!p2 $0x0  }
0x16: {  	s3 =	sld [smem:$0x3FDB];
	s0 =	simm.s32 @p2 $0x1  }
0x17: {  	s4 =	simm.s32 $0x1BF5;
	[smem:$0x3FB8] =	sst s0  }
0x18: {  	s0 =	sld [smem:$0x3F9B];
	_ =	swait.ge [sflag:s4], $0x0  }
0x19: {  	s7 =	sld [smem:$0x3F9C]  }
0x1a: {  	s8 =	sadd.s32 $0xFFFFE003, lr  }
0x1b: {  	s9 =	sadd.s32 $0xFFFFFEF7, lr;
	s5 =	simm.s32 $0xFFFFFFFF;
	p2 =	slt.u32 s8, $0xFFFFF086  }
0x1c: {  	p1 =	slt.u32 s9, $0xF7A;
	s5 =	simm.s32 @!p2 $0x0  }
0x1d: {  	s5 =	simm.s32 @p1 $0x1;
	p0 =	seq.s32 s7, s2  }
0x1e: {  	s7 =	smul.u32 @!p0 $0xF7A, s2;
	p2 =	seq.s32 @!p0 s5, $0x0  }
0x1f: {  	s9 =	smul.u32 $0xF7A, s1;
	s8 =	simm.s32 @!p0 $0x1BF5;
	p2 =	por !p2, p0  }
0x20: {  	[sflag:s8] =	ssyncset.s32 @!p0 $0xFFFFF086;
	s6 =	sadd.s32 @!p0 s3, s7;
	s7 =	simm.s32 @!p0 $0x108  }
0x21: {  	s3 =	sadd.s32 s3, s9;
	s6 =	sadd.s32 @!p0 $0x88, s6;
	s7 =	simm.s32 @p2 $0x1082  }
0x22: {  	[simem:s7], [sflag:s8] =	dma.local @!p0 [hbm:s6], $0xF7A  }
0x23: {  	s9 =	sor.u32 $0xD0000000, s2;
	s6 =	simm.s32 $0x108;
	_ =	swait.ge @!p0 [sflag:s8], $0x0  }
0x24: {  	s3 =	sadd.s32 $0x88, s3;
	s6 =	simm.s32 @!p1 $0x1082;
	[sflag:s4] =	ssyncset.s32 $0xFFFFF086  }
0x25: {  	[simem:s6], [sflag:s4] =	dma.local [hbm:s3], $0xF7A  }
0x26: {  	[smem:$0x3F9C] =	sst s1;
	(tag) =	ssettag s2;
	_ =	strace s9  }
0x27: {  	s1 =	sld [smem:$0x3FAC]  }
0x28: {  	s2 =	sld [smem:$0x3FAD]  }
0x29: {  	s4 =	sld [smem:$0x3FAF]  }
0x2a: {  	p0 =	seq.s32 s5, $0x0;
	s5 =	sld [smem:$0x3FB0]  }
0x2b: {  	s6 =	sld [smem:$0x3FB1]  }
0x2c: {  	s7 =	sld [smem:$0x3FB2]  }
0x2d: {  	s3 =	simm.s32 $0x108;
	s8 =	sld [smem:$0x3FB3]  }
0x2e: {  	s3 =	simm.s32 @!p0 $0x1082;
	s9 =	sld [smem:$0x3FB4]  }
0x2f: {  	lr =	sadd.s32 s0, s3;
	s0 =	sld [smem:$0x3FAB]  }
0x30: {  	s3 =	sld [smem:$0x3FAE]  }
0x31: {  	[smem:$0x3FB7] =	sst s10  }
0x32: {  	s10 =	sld [smem:$0x3FB5];
	_ =	sdelay $0x3  }
0x33: {  	p0 =	seq.s32 s10, $0x1;
	s10 =	sld [smem:$0x3FB7];
	_ =	sdelay $0x3  }
0x34: {  	[smem:$0x3FB7] =	sst s10  }
0x35: {  	s10 =	sld [smem:$0x3FB6];
	_ =	sdelay $0x3  }
0x36: {  	p1 =	seq.s32 s10, $0x1;
	s10 =	sld [smem:$0x3FB7];
	_ =	sdelay $0x3  }
0x37: {  	[smem:$0x3FB7] =	sst s10  }
0x38: {  	s10 =	sld [smem:$0x3FB8]  }
0x39: {  	_ = 	snop;
	(pc) =	sbr.ind lr, $3  }
0x3a: {  	_ = 	snop  }
0x3b: {  	_ = 	snop  }
0x3c: {  	p2 =	seq.s32 s10, $0x1;
	s10 =	sld [smem:$0x3FB7]  }
0x3d: {  	_ =	shalt  }
0x3e: {  	_ =	shalt  }
0x3f: {  	_ =	shalt  }
0x40: {  	_ =	shalt  }
0x41: {  	_ =	shalt  }
0x42: {  	_ =	shalt  }
0x43: {  	_ =	shalt  }
0x44: {  	_ =	shalt  }
0x45: {  	_ =	shalt  }
0x46: {  	_ =	shalt  }
0x47: {  	_ =	shalt  }
0x48: {  	_ =	shalt  }
0x49: {  	_ =	shalt  }
0x4a: {  	_ =	shalt  }
0x4b: {  	_ =	shalt  }
0x4c: {  	_ =	shalt  }
0x4d: {  	_ =	shalt  }
0x4e: {  	_ =	shalt  }
0x4f: {  	_ =	shalt  }
0x50: {  	_ =	shalt  }
0x51: {  	_ =	shalt  }
0x52: {  	_ =	shalt  }
0x53: {  	_ =	shalt  }
0x54: {  	_ =	shalt  }
0x55: {  	_ =	shalt  }
0x56: {  	_ =	shalt  }
0x57: {  	_ =	shalt  }
0x58: {  	_ =	shalt  }
0x59: {  	_ =	shalt  }
0x5a: {  	_ =	shalt  }
0x5b: {  	_ =	shalt  }
0x5c: {  	_ =	shalt  }
0x5d: {  	_ =	shalt  }
0x5e: {  	_ =	shalt  }
0x5f: {  	_ =	shalt  }
0x60: {  	_ =	shalt  }
0x61: {  	_ =	shalt  }
0x62: {  	_ =	shalt  }
0x63: {  	_ =	shalt  }
0x64: {  	_ =	shalt  }
0x65: {  	_ =	shalt  }
0x66: {  	_ =	shalt  }
0x67: {  	_ =	shalt  }
0x68: {  	_ =	shalt  }
0x69: {  	_ =	shalt  }
0x6a: {  	_ =	shalt  }
0x6b: {  	_ =	shalt  }
0x6c: {  	_ =	shalt  }
0x6d: {  	_ =	shalt  }
0x6e: {  	_ =	shalt  }
0x6f: {  	_ =	shalt  }
0x70: {  	_ =	shalt  }
0x71: {  	_ =	shalt  }
0x72: {  	_ =	shalt  }
0x73: {  	_ =	shalt  }
0x74: {  	_ =	shalt  }
0x75: {  	_ =	shalt  }
0x76: {  	_ =	shalt  }
0x77: {  	_ =	shalt  }
0x78: {  	_ =	shalt  }
0x79: {  	_ =	shalt  }
0x7a: {  	_ =	shalt  }
0x7b: {  	_ =	shalt  }
0x7c: {  	_ =	shalt  }
0x7d: {  	_ =	shalt  }
0x7e: {  	_ =	shalt  }
0x7f: {  	_ =	shalt  }
0x80: {  	_ =	shalt  }
0x81: {  	_ =	shalt  }
0x82: {  	_ =	shalt  }
0x83: {  	_ =	shalt  }
0x84: {  	_ =	shalt  }
0x85: {  	_ =	shalt  }
0x86: {  	_ =	shalt  }
0x87: {  	_ =	shalt  }
.Lfunc_end0:
.L_simem_size_0:
called_computation_lowered:
.L_overlay_start_0:
0x88: {  	s2 =	sld [smem:$0x3FD9]  }
0x89: {  	s3 =	sld [smem:$0x3FFE];
	_ =	sdelay $0x1  }
0x8a: {  	s1 =	srdreg.scid  }
0x8b: {  	s0 =	sand.u32 $0x1, s1  }
0x8c: {  	s14 =	sshll.u32 s0, $0xA;
	s2 =	sadd.s32 s3, s2  }
0x8d: {  	s2 =	sadd.s32 s2, s14  }
0x8e: {  	[smem:$0x3FC3] =	sst s2  }
0x8f: {  	_ = 	snop  }
0x90: {  	s2 =	sld [smem:$0x3FC9]  }
0x91: {  	s15 =	sld [smem:$0x3FD0]  }
0x92: {  	s4 =	sld [smem:$0x3FC8]  }
0x93: {  	s5 =	sld [smem:$0x3FC6]  }
0x94: {  	s7 =	simm.s32 $0xA;
	s8 =	simm.s32 $0x10;
	s6 =	sld [smem:$0x3FC5]  }
0x95: {  	[smem:s8], [sflag:s7] =	dma.local [hbm:s15], $0x1  }
0x96: {  	_ =	swait.eq [sflag:s7], $0x1  }
0x97: {  	[sflag:s7] =	ssyncset.done $0x0  }
0x98: {  	[sflag:s7] =	ssyncadd.s32 $0xFFFFFFFF  }
0x99: {  	s16 =	sld [smem:$0x11];
	(tm) =	ssettm $0x1  }
0x9a: {  	s17 =	sld [smem:$0x3FFB];
	_ =	sdelay $0x3  }
0x9b: {  	_ =	strace s17  }
0x9c: {  	s7 =	sld [smem:$0x3FFC];
	_ =	sdelay $0x3  }
0x9d: {  	_ =	strace s7  }
0x9e: {  	s7 =	sld [smem:$0x3FFD];
	_ =	sdelay $0x3  }
0x9f: {  	_ =	strace s7  }
0xa0: {  	_ =	strace $0x8FFFFFFF  }
0xa1: {  	s18 =	sld [smem:$0x3FDB];
	_ =	sdelay $0x1  }
0xa2: {  	s19 =	simm.s32 $_scs_section_size  }
0xa3: {  	s9 =	simm.s32 $_size__tile_overlayer_lowered;
	s10 =	simm.s32 $_tile_overlayer_lowered  }
0xa4: {  	s22 =	simm.s32 $0x1BFF;
	s21 =	sshll.u32 s10, $0x1;
	s7 =	sadd.s32 s19, s18  }
0xa5: {  	s11 =	simm.s32 $0x0;
	s20 =	sshll.u32 s9, $0x1;
	s9 =	sadd.s32 s21, s7  }
0xa6: {  	[timem:s11], [sflag:s22] =	dma.local [hbm:s9], s20  }
0xa7: {  	_ =	swait.ge [sflag:s22], s20  }
0xa8: {  	s8 =	ssub.s32 $0x0, s20;
	[sflag:s22] =	ssyncset.done $0x0  }
0xa9: {  	[sflag:s22] =	ssyncadd.s32 s8;
	_ =	sdelay $0x1  }
0xaa: {  	s23 =	simm.s32 $0x1B8B  }
0xab: {  	_ =	swait.ge [sflag:s23], $0x1  }
0xac: {  	[sflag:s23] =	ssyncset.done $0x0  }
0xad: {  	s25 =	simm.s32 $0x1B8E;
	s24 =	sld [smem:$0x3FFE];
	[sflag:s23] =	ssyncadd.s32 $0xFFFFFFFF  }
0xae: {  	s26 =	simm.s32 $execute0_lowered;
	[smem:$0x3FD2] =	sst s25  }
0xaf: {  	s9 =	sshll.u32 s26, $0x1;
	_ =	strace $0x80000046;
	[dreg:$0x1] =	wrdreg $0xFFFFFFFF  }
0xb0: {  	s28 =	simm.s32 $_size_execute0_lowered;
	s7 =	sadd.s32 s7, s9;
	[dreg:$0x0] =	wrdreg $0x0  }
0xb1: {  	s9 =	sshll.u32 s28, $0x1;
	[dreg:$0x2] =	wrdreg s7  }
0xb2: {  	[dreg:$0x3] =	wrdreg s9  }
0xb3: {  	[dreg:$0x4] =	wrdreg $0xC0  }
0xb4: {  	_ =	task [dreg:s11], $0x5FFFF  }
0xb5: {  	[dreg:$0x1] =	wrdreg $0xFFFFFFFF  }
0xb6: {  	[dreg:$0x0] =	wrdreg $0x60  }
0xb7: {  	[dreg:$0x2] =	wrdreg s2  }
0xb8: {  	[dreg:$0x3] =	wrdreg s4  }
0xb9: {  	[dreg:$0x4] =	wrdreg s5  }
0xba: {  	[dreg:$0x5] =	wrdreg s6  }
0xbb: {  	[dreg:$0x6] =	wrdreg s16  }
0xbc: {  	[dreg:$0x7] =	wrdreg s24  }
0xbd: {  	[dreg:$0x8] =	wrdreg $0x9  }
0xbe: {  	_ =	task.clear_ibuf [dreg:s11], $0x9FFFF;
	_ =	strace $0x90000046  }
0xbf: {  	s29 =	simm.s32 $0x9;
	_ =	strace $0x80000048  }
0xc0: {  	_ =	swait.ge [sflag:s29], $0x1  }
0xc1: {  	[sflag:s29] =	ssyncadd.s32 $0xFFFFFFFF  }
0xc2: {  	_ =	strace $0x90000048  }
0xc3: {  	_ =	sfence  }
0xc4: {  	s30 =	sld [smem:$0x0];
	_ =	sdelay $0x2  }
0xc5: {  	s31 =	sshll.u32 s1, $0xD;
	s1 =	sshrl.u32 s1, $0x2  }
0xc6: {  	s3 =	sand.u32 $0x4000, s31;
	s1 =	sadd.s32 s1, s30  }
0xc7: {  	s0 =	sor.u32 s3, s0;
	s1 =	sshll.u32 s1, $0x11  }
0xc8: {  	s0 =	sor.u32 s1, s0  }
0xc9: {  	s0 =	sadd.s32 $0x8F2B, s0  }
0xca: {  	[sflag:s0] =	ssyncadd.remote.s32 $0x1  }
0xcb: {  	_ =	sfence.sel $0xFFFF  }
0xcc: {  	[dreg:$0x0] =	wrdreg $0xFFFFFFFF;
	(pc) =	sbr.abs _section_cstart, $3  }
0xcd: {  	[dreg:$0x1] =	wrdreg $0xFFFFFFFF  }
0xce: {  	_ =	task.clear_ibuf [dreg:s11], $0x2FFFF;
	_ =	strace $0x9FFFFFFF  }
0xcf: {  	(tm) =	ssettm $0x7FFFFFFF  }
tec
execute0_lowered:
.L_overlay_start_1:
0x0: {  	(tag) =	ssettag $0x1  }
0x1: {  	s6 =	rddreg [dreg:$0x0]  }
0x2: {  	s7 =	rddreg [dreg:$0x1]  }
0x3: {  	s1 =	rddreg [dreg:$0x2]  }
0x4: {  	s2 =	rddreg [dreg:$0x3]  }
0x5: {  	s10 =	rddreg [dreg:$0x4]  }
0x6: {  	s5 =	rddreg [dreg:$0x5]  }
0x7: {  	s0 =	rddreg [dreg:$0x6];
	s8 =	srdreg.scid  }
0x8: {  	s4 =	simm.s32 $0x0;
	s3 =	stileid.u32;
	s14 =	simm.s32 $0x800  }
0x9: {  	s15 =	simm.s32 $0x1;
	s16 =	simm.s32 $0x400;
	s17 =	simm.s32 $0x3  }
0xa: {  	s18 =	simm.s32 $0x500;
	s19 =	simm.s32 $0x2;
	s20 =	simm.s32 $0x600  }
0xb: {  	s21 =	simm.s32 $0x0;
	s8 =	sand.u32 $0x1, s8;
	[smem:$0x7FF] =	sst s4  }
0xc: {  	s9 =	sshll.u32 s3, $0x7;
	s11 =	sshll.u32 s8, $0x6;
	s8 =	ssub.s32 $0x2, s8  }
0xd: {  	_ =	strace $0x80000047;
	s9 =	sor.u32 s11, s9;
	s31 =	sshrl.u32 s8, $0x1  }
0xe: {  	s11 =	sadd.s32 s9, s5;
	s12 =	sor.u32 $0x20, s9;
	s13 =	ssub.s32 s8, s31  }
0xf: {  	s5 =	sadd.s32 s6, s9;
	s7 =	sadd.s32 s7, s9;
	s9 =	sadd.s32 s10, s9  }
0x10: {  	s6 =	sadd.s32 s6, s12;
	s8 =	sadd.s32 $0x1000, s11;
	s10 =	sadd.s32 s10, s12  }
0x11: {  	s11 =	smax.u32 s13, $0x1;
	s12 =	simm.s32 $0x100;
	s13 =	simm.s32 $0x200  }
.LBB2_1:
0x12: {  	[tilespmem:s4], [sflag:$0x1] =	stream.linear.gather [hbm4b:s5+s4], $0x100, $0x38;
	[tilespmem:$0xC00] =	vst v63  }
0x13: {  	_ = 	snop  }
0x14: {  	[tilespmem:s12], [sflag:$0x3] =	stream.linear.gather [hbm4b:s6+s4], $0x100, $0x38;
	[tilespmem:$0xC00] =	vst v63  }
0x15: {  	_ = 	snop  }
0x16: {  	[tilespmem:s13], [sflag:$0x2] =	stream.linear.gather [hbm4b:s7+s4], $0x200, $0x38;
	[tilespmem:$0xC00] =	vst v63  }
0x17: {  	_ = 	snop  }
0x18: {  	[tilespmem:s14], [sflag:$0x2] =	stream.linear.gather [hbm4b:s2+s4], $0x400, $0x38;
	[tilespmem:$0xC00] =	vst v63  }
0x19: {  	_ =	swait.ge [sflag:s15], $0x100  }
0x1a: {  	[sflag:s15] =	ssyncset.done $0x0  }
0x1b: {  	[sflag:s15] =	ssyncadd.s32 $0xFFFFFF00  }
0x1c: {  	[tilespmem:s16], [sflag:$0x1] =	stream.indirect.gather [hbm4b:s1+s12], $0x1, s4, s12, $0xb8;
	[tilespmem:$0xC00] =	vst v63  }
0x1d: {  	_ =	swait.ge [sflag:s17], $0x100  }
0x1e: {  	[sflag:s17] =	ssyncset.done $0x0  }
0x1f: {  	[sflag:s17] =	ssyncadd.s32 $0xFFFFFF00  }
0x20: {  	[tilespmem:s18], [sflag:$0x3] =	stream.indirect.gather [hbm4b:s1+s12], $0x1, s12, s12, $0xb8;
	[tilespmem:$0xC00] =	vst v63  }
0x21: {  	_ =	swait.ge [sflag:s19], $0x200  }
0x22: {  	[sflag:s19] =	ssyncset.done $0x0  }
0x23: {  	[sflag:s19] =	ssyncadd.s32 $0xFFFFFE00  }
0x24: {  	_ =	swait.ge [sflag:s19], $0x400  }
0x25: {  	[sflag:s19] =	ssyncset.done $0x0  }
0x26: {  	s22 =	simm.s32 $0x0;
	[sflag:s19] =	ssyncadd.s32 $0xFFFFFC00  }
0x27: {  	v0 =	vld [tilespmem:s22+$0x200];
	_ =	sdelay $0x7  }
0x28: {  	s23 =	simm.s32 $0x10;
	s24 =	simm.s32 $0x80;
	v0 =	vld.idx.msk [tilespmem:v0+s14+$0x0], $0xffff  }
.LBB2_2:
0x29: {  	p0 =	sne.s32 s24, $0x7C0;
	v1 =	vld [tilespmem:s23+$0x200];
	_ =	sdelay $0x3  }
.Ltmp0:
0x2a: {  	(pc) =	sbr.rel @p0 .LBB2_2-.Ltmp0, $2  }
0x2b: {  	[tilespmem:s22+$0x600] =	vst v0;
	s22 =	smov.u32 s23;
	_ =	sdelay $0x2  }
0x2c: {  	s23 =	sshra.s32 s24, $0x2;
	s24 =	sadd.s32 $0x40, s24;
	v0 =	vld.idx.msk [tilespmem:v1+s14+$0x0], $0xffff  }
0x2d: {  	v1 =	vld [tilespmem:s23+$0x200];
	_ =	sdelay $0x6  }
0x2e: {  	[tilespmem:s22+$0x600] =	vst v0  }
0x2f: {  	v0 =	vld.idx.msk [tilespmem:v1+s14+$0x0], $0xffff;
	_ =	sdelay $0x4  }
0x30: {  	[tilespmem:s23+$0x600] =	vst v0  }
0x31: {  	[hbm4b:s8+s4] =	stream.linear.scatter [tilespmem:s20], [sflag:$0x2], $0x200, $0x38;
	[tilespmem:$0xC00] =	vst v63  }
0x32: {  	_ =	swait.ge [sflag:s15], $0x100  }
0x33: {  	[sflag:s15] =	ssyncset.done $0x0  }
0x34: {  	[sflag:s15] =	ssyncadd.s32 $0xFFFFFF00  }
0x35: {  	[hbm4b:s9+s4] =	stream.linear.scatter [tilespmem:s16], [sflag:$0x1], $0x100, $0x38;
	[tilespmem:$0xC00] =	vst v63  }
0x36: {  	_ =	swait.ge [sflag:s17], $0x100  }
0x37: {  	[sflag:s17] =	ssyncset.done $0x0  }
0x38: {  	[sflag:s17] =	ssyncadd.s32 $0xFFFFFF00  }
0x39: {  	[hbm4b:s10+s4] =	stream.linear.scatter [tilespmem:s18], [sflag:$0x3], $0x100, $0x38;
	[tilespmem:$0xC00] =	vst v63  }
0x3a: {  	_ =	swait.ge [sflag:s19], $0x200  }
0x3b: {  	[sflag:s19] =	ssyncset.done $0x0  }
0x3c: {  	s21 =	sadd.s32 $0x1, s21;
	[sflag:s19] =	ssyncadd.s32 $0xFFFFFE00  }
0x3d: {  	p0 =	sne.s32 s21, s11;
	_ =	swait.ge [sflag:s15], $0x100  }
.Ltmp1:
0x3e: {  	[sflag:s15] =	ssyncset.done $0x0;
	(pc) =	sbr.rel @p0 .LBB2_1-.Ltmp1, $4  }
0x3f: {  	[sflag:s15] =	ssyncadd.s32 $0xFFFFFF00  }
0x40: {  	_ =	swait.ge [sflag:s17], $0x100  }
0x41: {  	[sflag:s17] =	ssyncset.done $0x0  }
0x42: {  	[sflag:s17] =	ssyncadd.s32 $0xFFFFFF00  }
0x43: {  	_ =	sfence.sel $0x180000  }
0x44: {  	[bflag:$0x0] =	sbarrier.arrive $0xFFFF  }
0x45: {  	p0 =	sne.s32 s3, $0x0;
	_ =	strace $0x90000047  }
0x46: {  	s0 =	sadd.s32 @!p0 $0x100000, s0;
	[bflag:$0x2] =	sbarrier.arrive $0xFFFF  }
0x47: {  	[sflag:s0] =	ssyncadd.tile.s32 @!p0 $0x1;
	_ =	shalt  }
.Lfunc_end2:
_tile_overlayer_lowered:
.L_overlay_start_2:
0x48: {  	(tag) =	ssettag $0x2  }
0x49: {  	s0 =	rddreg [dreg:$0x0];
	s2 =	stileid.u32  }
0x4a: {  	s1 =	rddreg [dreg:$0x1];
	p0 =	sne.s32 s2, $0x0  }
0x4b: {  	s3 =	rddreg [dreg:$0x2];
	[bflag:$0x3] =	sbarrier.arrive $0xFFFF;
	s2 =	simm.s32 @!p0 $0x1C04  }
0x4c: {  	[timem:s3], [sflag:s2] =	dma.local @!p0 [hbm:s0], s1  }
0x4d: {  	s0 =	simm.s32 @!p0 $0x4  }
0x4e: {  	_ =	swait.ge @!p0 [sflag:s0], s1  }
0x4f: {  	s1 =	ssub.s32 @!p0 $0x0, s1;
	[sflag:s0] =	ssyncset.done @!p0 $0x0  }
0x50: {  	[sflag:s0] =	ssyncadd.s32 @!p0 s1  }
0x51: {  	[bflag:$0x3] =	sbarrier.arrive $0xFFFF  }
0x52: {  	_ =	shalt  }

</sc_bundles>
